<compile_context>
chip_gen: v7x
topology: tpu7x:2x2x1
jax: 0.10.2.dev20260603
libtpu: 0.0.44.dev20260713+nightly
codegen_flags: <defaults>
</compile_context>

<pallas_src>
import functools

import jax
import jax.numpy as jnp
from jax import lax
from jax.experimental import pallas as pl
from jax.experimental.pallas import tpu as pltpu
from jax.experimental.pallas import tpu_sc as plsc

WARP_SIZE = 32
LANES = 16


def _make_sc_stop(n: int):
    info = plsc.get_sparse_core_info()
    nc, ns = 1, info.num_subcores
    nw = nc * ns
    tok_per_w = n // nw
    warps_per_w = tok_per_w // WARP_SIZE
    chunk = tok_per_w // LANES
    lanes_per_warp = LANES // warps_per_w
    assert tok_per_w * nw == n and warps_per_w * WARP_SIZE == tok_per_w

    mesh = plsc.VectorSubcoreMesh(
        core_axis_name="c", subcore_axis_name="s", num_cores=nc
    )

    @functools.partial(
        pl.kernel,
        mesh=mesh,
        compiler_params=pltpu.CompilerParams(needs_layout_passes=False),
        out_type=jax.ShapeDtypeStruct((n,), jnp.int32),
        scratch_types=[
            pltpu.VMEM((tok_per_w,), jnp.float32),
            pltpu.VMEM((LANES,), jnp.float32),
            pltpu.VMEM((LANES,), jnp.int32),
            pltpu.VMEM((tok_per_w,), jnp.int32),
        ],
    )
    def sc_stop(probs_hbm, out_hbm, probs_v, part_v, verd_v, out_v):
        wid = lax.axis_index("s") * nc + lax.axis_index("c")
        base = wid * tok_per_w
        pltpu.sync_copy(probs_hbm.at[pl.ds(base, tok_per_w)], probs_v)

        lane = lax.iota(jnp.int32, LANES)
        lpw_shift = lanes_per_warp.bit_length() - 1
        warp_of_lane = lane >> lpw_shift
        sub_of_lane = lane & (lanes_per_warp - 1)
        idx0 = warp_of_lane * WARP_SIZE + sub_of_lane * chunk
        acc = plsc.load_gather(probs_v, [idx0])
        for i in range(1, chunk):
            acc = jnp.minimum(acc, plsc.load_gather(probs_v, [idx0 + i]))
        part_v[...] = acc

        pbase = warp_of_lane * lanes_per_warp
        t = plsc.load_gather(part_v, [pbase])
        for s in range(1, lanes_per_warp):
            t = jnp.minimum(t, plsc.load_gather(part_v, [pbase + s]))
        bits = plsc.bitcast(jnp.float32(0.5) - t, jnp.int32)
        verd_v[...] = lax.shift_right_logical(
            bits, jnp.broadcast_to(jnp.int32(31), (LANES,))
        )

        zero = lane - lane
        for jw in range(warps_per_w):
            splat = plsc.load_gather(verd_v, [zero + jw * lanes_per_warp])
            out_v[pl.ds(jw * WARP_SIZE, LANES)] = splat
            out_v[pl.ds(jw * WARP_SIZE + LANES, LANES)] = splat
        pltpu.sync_copy(out_v, out_hbm.at[pl.ds(base, tok_per_w)])

    return sc_stop


def kernel(h, halt_probs):
    n = halt_probs.shape[0]
    stopped_i32 = _make_sc_stop(n)(halt_probs)
    return (h, stopped_i32.astype(jnp.bool_))

# --- scband reference (transcript-rebuilt; emitter-appended) ---
"""Pipeline reference for scband-scheduler-step-79937931313805 (READ-ONLY COPY).

The authoritative reference and input builder live on the scoring server;
editing this copy changes nothing except your own understanding.
"""

import jax, jax.numpy as jnp
import numpy as np

WARP_SIZE = 32


def setup_inputs(seed: int = 0) -> dict:
    key = jax.random.key(seed)
    k1, k2 = jax.random.split(key)
    h = jax.random.normal(k1, (4096, 64, 256), dtype=jnp.float32)
    halt_probs = jax.random.uniform(k2, (4096,), dtype=jnp.float32)
    return {"h": h, "halt_probs": halt_probs}


def reference(h, halt_probs):
    # Faithful translation of WarpAlignedScheduler.forward
    n = halt_probs.shape[0]
    n_warps = n // WARP_SIZE
    n_aligned = n_warps * WARP_SIZE
    probs_grouped = halt_probs[:n_aligned].reshape(n_warps, WARP_SIZE)
    # segment min-reduce over warp-aligned groups of 32
    group_stopped = jnp.min(probs_grouped, axis=1) > 0.5
    token_stopped_aligned = jnp.broadcast_to(
        group_stopped[:, None], (n_warps, WARP_SIZE)
    ).reshape(n_aligned)
    if n > n_aligned:
        remainder = jnp.zeros((n - n_aligned,), dtype=bool)
        token_stopped = jnp.concatenate([token_stopped_aligned, remainder])
    else:
        token_stopped = token_stopped_aligned
    # h is passed through unchanged (straight-through)
    return (h, token_stopped)

if __name__ == "__main__":
    import jax
    _d = setup_inputs()
    print(jax.jit(kernel)(*tuple(_d.values())))

</pallas_src>

<mosaic_0001>
#map = affine_map<(d0, d1) -> (0)>
module attributes {stable_mosaic.version = 14 : i64} {
  func.func @sc_stop(%arg0: i32, %arg1: i32, %arg2: memref<4096xf32, #tpu.memory_space<hbm>>, %arg3: memref<4096xi32, #tpu.memory_space<hbm>>, %arg4: memref<256xf32, #tpu.memory_space<vmem>>, %arg5: memref<16xf32, #tpu.memory_space<vmem>>, %arg6: memref<16xi32, #tpu.memory_space<vmem>>, %arg7: memref<256xi32, #tpu.memory_space<vmem>>) attributes {dimension_semantics = [#tpu.dimension_semantics<core_parallel>, #tpu.dimension_semantics<subcore_parallel>], iteration_bounds = array<i64: 1, 16>, scalar_prefetch = 0 : i64, scratch_operands = 4 : i64, tpu.core_type = #tpu.core_type<sc_vector_subcore>, window_params = [{transform_indices = #map}, {transform_indices = #map}]} {
    %mul3A = arith.constant 1 : i32
    %mul3A_0 = arith.muli %arg1, %mul3A : i32
    %add3A = arith.addi %mul3A_0, %arg0 : i32
    %mul3A_1 = arith.constant 256 : i32
    %mul3A_2 = arith.muli %add3A, %mul3A_1 : i32
    "tpu.region"() ({
      %run_scoped3A = tpu.sem_alloc : memref<!tpu.dma_semaphore, #tpu.memory_space<semaphore_mem>>
      %dma_start3A = tpu.memref_slice %arg2[%mul3A_2] : memref<4096xf32, #tpu.memory_space<hbm>> -> memref<256xf32, #tpu.memory_space<hbm>>
      %dma_start3A_168 = tpu.memref_slice %arg2[%mul3A_2] : memref<4096xf32, #tpu.memory_space<hbm>> -> memref<256xf32, #tpu.memory_space<hbm>>
      tpu.enqueue_dma source(%dma_start3A_168 : memref<256xf32, #tpu.memory_space<hbm>>) target(%arg4 : memref<256xf32, #tpu.memory_space<vmem>>) target_semaphore(%run_scoped3A : memref<!tpu.dma_semaphore, #tpu.memory_space<semaphore_mem>>)
      %dma_wait3A = tpu.memref_slice %arg2[%mul3A_2] : memref<4096xf32, #tpu.memory_space<hbm>> -> memref<256xf32, #tpu.memory_space<hbm>>
      %dma_wait3A_169 = tpu.memref_slice %arg2[%mul3A_2] : memref<4096xf32, #tpu.memory_space<hbm>> -> memref<256xf32, #tpu.memory_space<hbm>>
      tpu.wait_dma2 semaphore(%run_scoped3A : memref<!tpu.dma_semaphore, #tpu.memory_space<semaphore_mem>>) src(%dma_wait3A_169 : memref<256xf32, #tpu.memory_space<hbm>>) dst(%arg4 : memref<256xf32, #tpu.memory_space<vmem>>)
      tpu.yield
    }) : () -> ()
    %iota3A = tpu.iota {dimensions = array<i32: 0>} : vector<16xi32>
    %shift_right_arithmetic3A = arith.constant 1 : i32
    %shift_right_arithmetic3A_3 = vector.broadcast %shift_right_arithmetic3A : i32 to vector<16xi32>
    %shift_right_arithmetic3A_4 = arith.shrsi %iota3A, %shift_right_arithmetic3A_3 : vector<16xi32>
    %and3A = arith.constant 1 : i32
    %and3A_5 = vector.broadcast %and3A : i32 to vector<16xi32>
    %and3A_6 = arith.andi %iota3A, %and3A_5 : vector<16xi32>
    %mul3A_7 = arith.constant 32 : i32
    %mul3A_8 = vector.broadcast %mul3A_7 : i32 to vector<16xi32>
    %mul3A_9 = arith.muli %shift_right_arithmetic3A_4, %mul3A_8 : vector<16xi32>
    %mul3A_10 = arith.constant 16 : i32
    %mul3A_11 = vector.broadcast %mul3A_10 : i32 to vector<16xi32>
    %mul3A_12 = arith.muli %and3A_6, %mul3A_11 : vector<16xi32>
    %add3A_13 = arith.addi %mul3A_9, %mul3A_12 : vector<16xi32>
    %gather3A = tpu.vector_load_idx %arg4[%add3A_13] : memref<256xf32, #tpu.memory_space<vmem>>[vector<16xi32>], vector<16xf32>,
    %add3A_14 = arith.constant 1 : i32
    %add3A_15 = vector.broadcast %add3A_14 : i32 to vector<16xi32>
    %add3A_16 = arith.addi %add3A_13, %add3A_15 : vector<16xi32>
    %gather3A_17 = tpu.vector_load_idx %arg4[%add3A_16] : memref<256xf32, #tpu.memory_space<vmem>>[vector<16xi32>], vector<16xf32>,
    %min3A = arith.minimumf %gather3A, %gather3A_17 : vector<16xf32>
    %add3A_18 = arith.constant 2 : i32
    %add3A_19 = vector.broadcast %add3A_18 : i32 to vector<16xi32>
    %add3A_20 = arith.addi %add3A_13, %add3A_19 : vector<16xi32>
    %gather3A_21 = tpu.vector_load_idx %arg4[%add3A_20] : memref<256xf32, #tpu.memory_space<vmem>>[vector<16xi32>], vector<16xf32>,
    %min3A_22 = arith.minimumf %min3A, %gather3A_21 : vector<16xf32>
    %add3A_23 = arith.constant 3 : i32
    %add3A_24 = vector.broadcast %add3A_23 : i32 to vector<16xi32>
    %add3A_25 = arith.addi %add3A_13, %add3A_24 : vector<16xi32>
    %gather3A_26 = tpu.vector_load_idx %arg4[%add3A_25] : memref<256xf32, #tpu.memory_space<vmem>>[vector<16xi32>], vector<16xf32>,
    %min3A_27 = arith.minimumf %min3A_22, %gather3A_26 : vector<16xf32>
    %add3A_28 = arith.constant 4 : i32
    %add3A_29 = vector.broadcast %add3A_28 : i32 to vector<16xi32>
    %add3A_30 = arith.addi %add3A_13, %add3A_29 : vector<16xi32>
    %gather3A_31 = tpu.vector_load_idx %arg4[%add3A_30] : memref<256xf32, #tpu.memory_space<vmem>>[vector<16xi32>], vector<16xf32>,
    %min3A_32 = arith.minimumf %min3A_27, %gather3A_31 : vector<16xf32>
    %add3A_33 = arith.constant 5 : i32
    %add3A_34 = vector.broadcast %add3A_33 : i32 to vector<16xi32>
    %add3A_35 = arith.addi %add3A_13, %add3A_34 : vector<16xi32>
    %gather3A_36 = tpu.vector_load_idx %arg4[%add3A_35] : memref<256xf32, #tpu.memory_space<vmem>>[vector<16xi32>], vector<16xf32>,
    %min3A_37 = arith.minimumf %min3A_32, %gather3A_36 : vector<16xf32>
    %add3A_38 = arith.constant 6 : i32
    %add3A_39 = vector.broadcast %add3A_38 : i32 to vector<16xi32>
    %add3A_40 = arith.addi %add3A_13, %add3A_39 : vector<16xi32>
    %gather3A_41 = tpu.vector_load_idx %arg4[%add3A_40] : memref<256xf32, #tpu.memory_space<vmem>>[vector<16xi32>], vector<16xf32>,
    %min3A_42 = arith.minimumf %min3A_37, %gather3A_41 : vector<16xf32>
    %add3A_43 = arith.constant 7 : i32
    %add3A_44 = vector.broadcast %add3A_43 : i32 to vector<16xi32>
    %add3A_45 = arith.addi %add3A_13, %add3A_44 : vector<16xi32>
    %gather3A_46 = tpu.vector_load_idx %arg4[%add3A_45] : memref<256xf32, #tpu.memory_space<vmem>>[vector<16xi32>], vector<16xf32>,
    %min3A_47 = arith.minimumf %min3A_42, %gather3A_46 : vector<16xf32>
    %add3A_48 = arith.constant 8 : i32
    %add3A_49 = vector.broadcast %add3A_48 : i32 to vector<16xi32>
    %add3A_50 = arith.addi %add3A_13, %add3A_49 : vector<16xi32>
    %gather3A_51 = tpu.vector_load_idx %arg4[%add3A_50] : memref<256xf32, #tpu.memory_space<vmem>>[vector<16xi32>], vector<16xf32>,
    %min3A_52 = arith.minimumf %min3A_47, %gather3A_51 : vector<16xf32>
    %add3A_53 = arith.constant 9 : i32
    %add3A_54 = vector.broadcast %add3A_53 : i32 to vector<16xi32>
    %add3A_55 = arith.addi %add3A_13, %add3A_54 : vector<16xi32>
    %gather3A_56 = tpu.vector_load_idx %arg4[%add3A_55] : memref<256xf32, #tpu.memory_space<vmem>>[vector<16xi32>], vector<16xf32>,
    %min3A_57 = arith.minimumf %min3A_52, %gather3A_56 : vector<16xf32>
    %add3A_58 = arith.constant 10 : i32
    %add3A_59 = vector.broadcast %add3A_58 : i32 to vector<16xi32>
    %add3A_60 = arith.addi %add3A_13, %add3A_59 : vector<16xi32>
    %gather3A_61 = tpu.vector_load_idx %arg4[%add3A_60] : memref<256xf32, #tpu.memory_space<vmem>>[vector<16xi32>], vector<16xf32>,
    %min3A_62 = arith.minimumf %min3A_57, %gather3A_61 : vector<16xf32>
    %add3A_63 = arith.constant 11 : i32
    %add3A_64 = vector.broadcast %add3A_63 : i32 to vector<16xi32>
    %add3A_65 = arith.addi %add3A_13, %add3A_64 : vector<16xi32>
    %gather3A_66 = tpu.vector_load_idx %arg4[%add3A_65] : memref<256xf32, #tpu.memory_space<vmem>>[vector<16xi32>], vector<16xf32>,
    %min3A_67 = arith.minimumf %min3A_62, %gather3A_66 : vector<16xf32>
    %add3A_68 = arith.constant 12 : i32
    %add3A_69 = vector.broadcast %add3A_68 : i32 to vector<16xi32>
    %add3A_70 = arith.addi %add3A_13, %add3A_69 : vector<16xi32>
    %gather3A_71 = tpu.vector_load_idx %arg4[%add3A_70] : memref<256xf32, #tpu.memory_space<vmem>>[vector<16xi32>], vector<16xf32>,
    %min3A_72 = arith.minimumf %min3A_67, %gather3A_71 : vector<16xf32>
    %add3A_73 = arith.constant 13 : i32
    %add3A_74 = vector.broadcast %add3A_73 : i32 to vector<16xi32>
    %add3A_75 = arith.addi %add3A_13, %add3A_74 : vector<16xi32>
    %gather3A_76 = tpu.vector_load_idx %arg4[%add3A_75] : memref<256xf32, #tpu.memory_space<vmem>>[vector<16xi32>], vector<16xf32>,
    %min3A_77 = arith.minimumf %min3A_72, %gather3A_76 : vector<16xf32>
    %add3A_78 = arith.constant 14 : i32
    %add3A_79 = vector.broadcast %add3A_78 : i32 to vector<16xi32>
    %add3A_80 = arith.addi %add3A_13, %add3A_79 : vector<16xi32>
    %gather3A_81 = tpu.vector_load_idx %arg4[%add3A_80] : memref<256xf32, #tpu.memory_space<vmem>>[vector<16xi32>], vector<16xf32>,
    %min3A_82 = arith.minimumf %min3A_77, %gather3A_81 : vector<16xf32>
    %add3A_83 = arith.constant 15 : i32
    %add3A_84 = vector.broadcast %add3A_83 : i32 to vector<16xi32>
    %add3A_85 = arith.addi %add3A_13, %add3A_84 : vector<16xi32>
    %gather3A_86 = tpu.vector_load_idx %arg4[%add3A_85] : memref<256xf32, #tpu.memory_space<vmem>>[vector<16xi32>], vector<16xf32>,
    %min3A_87 = arith.minimumf %min3A_82, %gather3A_86 : vector<16xf32>
    %swap3A = arith.constant 0 : index
    %swap3A_88 = tpu.vector_load %arg5[%swap3A] {strides = array<i32>} : memref<16xf32, #tpu.memory_space<vmem>>, vector<16xf32>,
    tpu.vector_store %arg5[%swap3A], %min3A_87 {strides = array<i32>} : memref<16xf32, #tpu.memory_space<vmem>>, vector<16xf32>,
    %mul3A_89 = arith.constant 2 : i32
    %mul3A_90 = vector.broadcast %mul3A_89 : i32 to vector<16xi32>
    %mul3A_91 = arith.muli %shift_right_arithmetic3A_4, %mul3A_90 : vector<16xi32>
    %gather3A_92 = tpu.vector_load_idx %arg5[%mul3A_91] : memref<16xf32, #tpu.memory_space<vmem>>[vector<16xi32>], vector<16xf32>,
    %add3A_93 = arith.constant 1 : i32
    %add3A_94 = vector.broadcast %add3A_93 : i32 to vector<16xi32>
    %add3A_95 = arith.addi %mul3A_91, %add3A_94 : vector<16xi32>
    %gather3A_96 = tpu.vector_load_idx %arg5[%add3A_95] : memref<16xf32, #tpu.memory_space<vmem>>[vector<16xi32>], vector<16xf32>,
    %min3A_97 = arith.minimumf %gather3A_92, %gather3A_96 : vector<16xf32>
    %sub3A = arith.constant 5.000000e-01 : f32
    %sub3A_98 = vector.broadcast %sub3A : f32 to vector<16xf32>
    %sub3A_99 = arith.subf %sub3A_98, %min3A_97 : vector<16xf32>
    %bitcast3A = vector.bitcast %sub3A_99 : vector<16xf32> to vector<16xi32>
    %broadcast_in_dim3A = arith.constant 31 : i32
    %broadcast_in_dim3A_100 = vector.broadcast %broadcast_in_dim3A : i32 to vector<16xi32>
    %shift_right_logical3A = arith.shrui %bitcast3A, %broadcast_in_dim3A_100 : vector<16xi32>
    %swap3A_101 = arith.constant 0 : index
    %swap3A_102 = tpu.vector_load %arg6[%swap3A_101] {strides = array<i32>} : memref<16xi32, #tpu.memory_space<vmem>>, vector<16xi32>,
    tpu.vector_store %arg6[%swap3A_101], %shift_right_logical3A {strides = array<i32>} : memref<16xi32, #tpu.memory_space<vmem>>, vector<16xi32>,
    %sub3A_103 = arith.subi %iota3A, %iota3A : vector<16xi32>
    %add3A_104 = arith.constant 0 : i32
    %add3A_105 = vector.broadcast %add3A_104 : i32 to vector<16xi32>
    %add3A_106 = arith.addi %sub3A_103, %add3A_105 : vector<16xi32>
    %gather3A_107 = tpu.vector_load_idx %arg6[%add3A_106] : memref<16xi32, #tpu.memory_space<vmem>>[vector<16xi32>], vector<16xi32>,
    %swap3A_108 = arith.constant 0 : index
    %swap3A_109 = tpu.vector_load %arg7[%swap3A_108] {strides = array<i32>} : memref<256xi32, #tpu.memory_space<vmem>>, vector<16xi32>,
    tpu.vector_store %arg7[%swap3A_108], %gather3A_107 {strides = array<i32>} : memref<256xi32, #tpu.memory_space<vmem>>, vector<16xi32>,
    %swap3A_110 = arith.constant 16 : index
    %swap3A_111 = tpu.vector_load %arg7[%swap3A_110] {strides = array<i32>} : memref<256xi32, #tpu.memory_space<vmem>>, vector<16xi32>,
    tpu.vector_store %arg7[%swap3A_110], %gather3A_107 {strides = array<i32>} : memref<256xi32, #tpu.memory_space<vmem>>, vector<16xi32>,
    %add3A_112 = arith.constant 2 : i32
    %add3A_113 = vector.broadcast %add3A_112 : i32 to vector<16xi32>
    %add3A_114 = arith.addi %sub3A_103, %add3A_113 : vector<16xi32>
    %gather3A_115 = tpu.vector_load_idx %arg6[%add3A_114] : memref<16xi32, #tpu.memory_space<vmem>>[vector<16xi32>], vector<16xi32>,
    %swap3A_116 = arith.constant 32 : index
    %swap3A_117 = tpu.vector_load %arg7[%swap3A_116] {strides = array<i32>} : memref<256xi32, #tpu.memory_space<vmem>>, vector<16xi32>,
    tpu.vector_store %arg7[%swap3A_116], %gather3A_115 {strides = array<i32>} : memref<256xi32, #tpu.memory_space<vmem>>, vector<16xi32>,
    %swap3A_118 = arith.constant 48 : index
    %swap3A_119 = tpu.vector_load %arg7[%swap3A_118] {strides = array<i32>} : memref<256xi32, #tpu.memory_space<vmem>>, vector<16xi32>,
    tpu.vector_store %arg7[%swap3A_118], %gather3A_115 {strides = array<i32>} : memref<256xi32, #tpu.memory_space<vmem>>, vector<16xi32>,
    %add3A_120 = arith.constant 4 : i32
    %add3A_121 = vector.broadcast %add3A_120 : i32 to vector<16xi32>
    %add3A_122 = arith.addi %sub3A_103, %add3A_121 : vector<16xi32>
    %gather3A_123 = tpu.vector_load_idx %arg6[%add3A_122] : memref<16xi32, #tpu.memory_space<vmem>>[vector<16xi32>], vector<16xi32>,
    %swap3A_124 = arith.constant 64 : index
    %swap3A_125 = tpu.vector_load %arg7[%swap3A_124] {strides = array<i32>} : memref<256xi32, #tpu.memory_space<vmem>>, vector<16xi32>,
    tpu.vector_store %arg7[%swap3A_124], %gather3A_123 {strides = array<i32>} : memref<256xi32, #tpu.memory_space<vmem>>, vector<16xi32>,
    %swap3A_126 = arith.constant 80 : index
    %swap3A_127 = tpu.vector_load %arg7[%swap3A_126] {strides = array<i32>} : memref<256xi32, #tpu.memory_space<vmem>>, vector<16xi32>,
    tpu.vector_store %arg7[%swap3A_126], %gather3A_123 {strides = array<i32>} : memref<256xi32, #tpu.memory_space<vmem>>, vector<16xi32>,
    %add3A_128 = arith.constant 6 : i32
    %add3A_129 = vector.broadcast %add3A_128 : i32 to vector<16xi32>
    %add3A_130 = arith.addi %sub3A_103, %add3A_129 : vector<16xi32>
    %gather3A_131 = tpu.vector_load_idx %arg6[%add3A_130] : memref<16xi32, #tpu.memory_space<vmem>>[vector<16xi32>], vector<16xi32>,
    %swap3A_132 = arith.constant 96 : index
    %swap3A_133 = tpu.vector_load %arg7[%swap3A_132] {strides = array<i32>} : memref<256xi32, #tpu.memory_space<vmem>>, vector<16xi32>,
    tpu.vector_store %arg7[%swap3A_132], %gather3A_131 {strides = array<i32>} : memref<256xi32, #tpu.memory_space<vmem>>, vector<16xi32>,
    %swap3A_134 = arith.constant 112 : index
    %swap3A_135 = tpu.vector_load %arg7[%swap3A_134] {strides = array<i32>} : memref<256xi32, #tpu.memory_space<vmem>>, vector<16xi32>,
    tpu.vector_store %arg7[%swap3A_134], %gather3A_131 {strides = array<i32>} : memref<256xi32, #tpu.memory_space<vmem>>, vector<16xi32>,
    %add3A_136 = arith.constant 8 : i32
    %add3A_137 = vector.broadcast %add3A_136 : i32 to vector<16xi32>
    %add3A_138 = arith.addi %sub3A_103, %add3A_137 : vector<16xi32>
    %gather3A_139 = tpu.vector_load_idx %arg6[%add3A_138] : memref<16xi32, #tpu.memory_space<vmem>>[vector<16xi32>], vector<16xi32>,
    %swap3A_140 = arith.constant 128 : index
    %swap3A_141 = tpu.vector_load %arg7[%swap3A_140] {strides = array<i32>} : memref<256xi32, #tpu.memory_space<vmem>>, vector<16xi32>,
    tpu.vector_store %arg7[%swap3A_140], %gather3A_139 {strides = array<i32>} : memref<256xi32, #tpu.memory_space<vmem>>, vector<16xi32>,
    %swap3A_142 = arith.constant 144 : index
    %swap3A_143 = tpu.vector_load %arg7[%swap3A_142] {strides = array<i32>} : memref<256xi32, #tpu.memory_space<vmem>>, vector<16xi32>,
    tpu.vector_store %arg7[%swap3A_142], %gather3A_139 {strides = array<i32>} : memref<256xi32, #tpu.memory_space<vmem>>, vector<16xi32>,
    %add3A_144 = arith.constant 10 : i32
    %add3A_145 = vector.broadcast %add3A_144 : i32 to vector<16xi32>
    %add3A_146 = arith.addi %sub3A_103, %add3A_145 : vector<16xi32>
    %gather3A_147 = tpu.vector_load_idx %arg6[%add3A_146] : memref<16xi32, #tpu.memory_space<vmem>>[vector<16xi32>], vector<16xi32>,
    %swap3A_148 = arith.constant 160 : index
    %swap3A_149 = tpu.vector_load %arg7[%swap3A_148] {strides = array<i32>} : memref<256xi32, #tpu.memory_space<vmem>>, vector<16xi32>,
    tpu.vector_store %arg7[%swap3A_148], %gather3A_147 {strides = array<i32>} : memref<256xi32, #tpu.memory_space<vmem>>, vector<16xi32>,
    %swap3A_150 = arith.constant 176 : index
    %swap3A_151 = tpu.vector_load %arg7[%swap3A_150] {strides = array<i32>} : memref<256xi32, #tpu.memory_space<vmem>>, vector<16xi32>,
    tpu.vector_store %arg7[%swap3A_150], %gather3A_147 {strides = array<i32>} : memref<256xi32, #tpu.memory_space<vmem>>, vector<16xi32>,
    %add3A_152 = arith.constant 12 : i32
    %add3A_153 = vector.broadcast %add3A_152 : i32 to vector<16xi32>
    %add3A_154 = arith.addi %sub3A_103, %add3A_153 : vector<16xi32>
    %gather3A_155 = tpu.vector_load_idx %arg6[%add3A_154] : memref<16xi32, #tpu.memory_space<vmem>>[vector<16xi32>], vector<16xi32>,
    %swap3A_156 = arith.constant 192 : index
    %swap3A_157 = tpu.vector_load %arg7[%swap3A_156] {strides = array<i32>} : memref<256xi32, #tpu.memory_space<vmem>>, vector<16xi32>,
    tpu.vector_store %arg7[%swap3A_156], %gather3A_155 {strides = array<i32>} : memref<256xi32, #tpu.memory_space<vmem>>, vector<16xi32>,
    %swap3A_158 = arith.constant 208 : index
    %swap3A_159 = tpu.vector_load %arg7[%swap3A_158] {strides = array<i32>} : memref<256xi32, #tpu.memory_space<vmem>>, vector<16xi32>,
    tpu.vector_store %arg7[%swap3A_158], %gather3A_155 {strides = array<i32>} : memref<256xi32, #tpu.memory_space<vmem>>, vector<16xi32>,
    %add3A_160 = arith.constant 14 : i32
    %add3A_161 = vector.broadcast %add3A_160 : i32 to vector<16xi32>
    %add3A_162 = arith.addi %sub3A_103, %add3A_161 : vector<16xi32>
    %gather3A_163 = tpu.vector_load_idx %arg6[%add3A_162] : memref<16xi32, #tpu.memory_space<vmem>>[vector<16xi32>], vector<16xi32>,
    %swap3A_164 = arith.constant 224 : index
    %swap3A_165 = tpu.vector_load %arg7[%swap3A_164] {strides = array<i32>} : memref<256xi32, #tpu.memory_space<vmem>>, vector<16xi32>,
    tpu.vector_store %arg7[%swap3A_164], %gather3A_163 {strides = array<i32>} : memref<256xi32, #tpu.memory_space<vmem>>, vector<16xi32>,
    %swap3A_166 = arith.constant 240 : index
    %swap3A_167 = tpu.vector_load %arg7[%swap3A_166] {strides = array<i32>} : memref<256xi32, #tpu.memory_space<vmem>>, vector<16xi32>,
    tpu.vector_store %arg7[%swap3A_166], %gather3A_163 {strides = array<i32>} : memref<256xi32, #tpu.memory_space<vmem>>, vector<16xi32>,
    "tpu.region"() ({
      %run_scoped3A = tpu.sem_alloc : memref<!tpu.dma_semaphore, #tpu.memory_space<semaphore_mem>>
      %dma_start3A = tpu.memref_slice %arg3[%mul3A_2] : memref<4096xi32, #tpu.memory_space<hbm>> -> memref<256xi32, #tpu.memory_space<hbm>>
      %dma_start3A_168 = tpu.memref_slice %arg3[%mul3A_2] : memref<4096xi32, #tpu.memory_space<hbm>> -> memref<256xi32, #tpu.memory_space<hbm>>
      tpu.enqueue_dma source(%arg7 : memref<256xi32, #tpu.memory_space<vmem>>) target(%dma_start3A_168 : memref<256xi32, #tpu.memory_space<hbm>>) target_semaphore(%run_scoped3A : memref<!tpu.dma_semaphore, #tpu.memory_space<semaphore_mem>>)
      %dma_wait3A = tpu.memref_slice %arg3[%mul3A_2] : memref<4096xi32, #tpu.memory_space<hbm>> -> memref<256xi32, #tpu.memory_space<hbm>>
      %dma_wait3A_169 = tpu.memref_slice %arg3[%mul3A_2] : memref<4096xi32, #tpu.memory_space<hbm>> -> memref<256xi32, #tpu.memory_space<hbm>>
      tpu.wait_dma2 semaphore(%run_scoped3A : memref<!tpu.dma_semaphore, #tpu.memory_space<semaphore_mem>>) src(%arg7 : memref<256xi32, #tpu.memory_space<vmem>>) dst(%dma_wait3A_169 : memref<256xi32, #tpu.memory_space<hbm>>)
      tpu.yield
    }) : () -> ()
    return
  }
}

</mosaic_0001>

<sc_bundles>
// kernel: kernel.3.cloned.1.call-start
scs
__scs_entry_jumppad:
0x0: {  	(pc) =	sbr.rel $0x88, $3  }
0x1: {  	(tag) =	ssettag $0x0;
	lr =	simm.s32 $0x1  }
0x2: {  	[smem:$0x3F9F] =	sst lr;
	_ =	strace $0xD0000000  }
0x3: {  	_ = 	snop  }
0x4: {  	_ = 	snop  }
0x5: {  	_ = 	snop  }
0x6: {  	_ = 	snop  }
0x7: {  	_ = 	snop  }
__scs_overlays_trampoline_lowered:
0x8: {  	[smem:$0x3FAE] =	sst s0  }
0x9: {  	[smem:$0x3FAF] =	sst s1  }
0xa: {  	[smem:$0x3FB0] =	sst s2  }
0xb: {  	[smem:$0x3FB1] =	sst s3  }
0xc: {  	[smem:$0x3FB2] =	sst s4  }
0xd: {  	[smem:$0x3FB3] =	sst s5  }
0xe: {  	[smem:$0x3FB4] =	sst s6  }
0xf: {  	[smem:$0x3FB5] =	sst s7  }
0x10: {  	[smem:$0x3FB6] =	sst s8  }
0x11: {  	[smem:$0x3FB7] =	sst s9;
	s0 =	simm.s32 @!p0 $0x0  }
0x12: {  	s1 =	sld [smem:$0x3F9D];
	s0 =	simm.s32 @p0 $0x1  }
0x13: {  	[smem:$0x3FB8] =	sst s0;
	s0 =	simm.s32 @!p1 $0x0  }
0x14: {  	s2 =	sld [smem:$0x3F9C];
	s0 =	simm.s32 @p1 $0x1  }
0x15: {  	[smem:$0x3FB9] =	sst s0;
	s0 =	simm.s32 @!p2 $0x0  }
0x16: {  	s3 =	sld [smem:$0x3FDB];
	s0 =	simm.s32 @p2 $0x1  }
0x17: {  	s4 =	simm.s32 $0x1BF5;
	[smem:$0x3FBB] =	sst s0  }
0x18: {  	s0 =	sld [smem:$0x3F9E];
	_ =	swait.ge [sflag:s4], $0x0  }
0x19: {  	s7 =	sld [smem:$0x3F9F]  }
0x1a: {  	s8 =	sadd.s32 $0xFFFFE003, lr  }
0x1b: {  	s9 =	sadd.s32 $0xFFFFFEF7, lr;
	s5 =	simm.s32 $0xFFFFFFFF;
	p2 =	slt.u32 s8, $0xFFFFF086  }
0x1c: {  	p1 =	slt.u32 s9, $0xF7A;
	s5 =	simm.s32 @!p2 $0x0  }
0x1d: {  	s5 =	simm.s32 @p1 $0x1;
	p0 =	seq.s32 s7, s2  }
0x1e: {  	s7 =	smul.u32 @!p0 $0xF7A, s2;
	p2 =	seq.s32 @!p0 s5, $0x0  }
0x1f: {  	s9 =	smul.u32 $0xF7A, s1;
	s8 =	simm.s32 @!p0 $0x1BF5;
	p2 =	por !p2, p0  }
0x20: {  	[sflag:s8] =	ssyncset.s32 @!p0 $0xFFFFF086;
	s6 =	sadd.s32 @!p0 s3, s7;
	s7 =	simm.s32 @!p0 $0x108  }
0x21: {  	s3 =	sadd.s32 s3, s9;
	s6 =	sadd.s32 @!p0 $0x88, s6;
	s7 =	simm.s32 @p2 $0x1082  }
0x22: {  	[simem:s7], [sflag:s8] =	dma.local @!p0 [hbm:s6], $0xF7A  }
0x23: {  	s9 =	sor.u32 $0xD0000000, s2;
	s6 =	simm.s32 $0x108;
	_ =	swait.ge @!p0 [sflag:s8], $0x0  }
0x24: {  	s3 =	sadd.s32 $0x88, s3;
	s6 =	simm.s32 @!p1 $0x1082;
	[sflag:s4] =	ssyncset.s32 $0xFFFFF086  }
0x25: {  	[simem:s6], [sflag:s4] =	dma.local [hbm:s3], $0xF7A  }
0x26: {  	[smem:$0x3F9F] =	sst s1;
	(tag) =	ssettag s2;
	_ =	strace s9  }
0x27: {  	s1 =	sld [smem:$0x3FAF]  }
0x28: {  	s2 =	sld [smem:$0x3FB0]  }
0x29: {  	s4 =	sld [smem:$0x3FB2]  }
0x2a: {  	p0 =	seq.s32 s5, $0x0;
	s5 =	sld [smem:$0x3FB3]  }
0x2b: {  	s6 =	sld [smem:$0x3FB4]  }
0x2c: {  	s7 =	sld [smem:$0x3FB5]  }
0x2d: {  	s3 =	simm.s32 $0x108;
	s8 =	sld [smem:$0x3FB6]  }
0x2e: {  	s3 =	simm.s32 @!p0 $0x1082;
	s9 =	sld [smem:$0x3FB7]  }
0x2f: {  	lr =	sadd.s32 s0, s3;
	s0 =	sld [smem:$0x3FAE]  }
0x30: {  	s3 =	sld [smem:$0x3FB1]  }
0x31: {  	[smem:$0x3FBA] =	sst s10  }
0x32: {  	s10 =	sld [smem:$0x3FB8];
	_ =	sdelay $0x3  }
0x33: {  	p0 =	seq.s32 s10, $0x1;
	s10 =	sld [smem:$0x3FBA];
	_ =	sdelay $0x3  }
0x34: {  	[smem:$0x3FBA] =	sst s10  }
0x35: {  	s10 =	sld [smem:$0x3FB9];
	_ =	sdelay $0x3  }
0x36: {  	p1 =	seq.s32 s10, $0x1;
	s10 =	sld [smem:$0x3FBA];
	_ =	sdelay $0x3  }
0x37: {  	[smem:$0x3FBA] =	sst s10  }
0x38: {  	s10 =	sld [smem:$0x3FBB]  }
0x39: {  	_ = 	snop;
	(pc) =	sbr.ind lr, $3  }
0x3a: {  	_ = 	snop  }
0x3b: {  	_ = 	snop  }
0x3c: {  	p2 =	seq.s32 s10, $0x1;
	s10 =	sld [smem:$0x3FBA]  }
0x3d: {  	_ =	shalt  }
0x3e: {  	_ =	shalt  }
0x3f: {  	_ =	shalt  }
0x40: {  	_ =	shalt  }
0x41: {  	_ =	shalt  }
0x42: {  	_ =	shalt  }
0x43: {  	_ =	shalt  }
0x44: {  	_ =	shalt  }
0x45: {  	_ =	shalt  }
0x46: {  	_ =	shalt  }
0x47: {  	_ =	shalt  }
0x48: {  	_ =	shalt  }
0x49: {  	_ =	shalt  }
0x4a: {  	_ =	shalt  }
0x4b: {  	_ =	shalt  }
0x4c: {  	_ =	shalt  }
0x4d: {  	_ =	shalt  }
0x4e: {  	_ =	shalt  }
0x4f: {  	_ =	shalt  }
0x50: {  	_ =	shalt  }
0x51: {  	_ =	shalt  }
0x52: {  	_ =	shalt  }
0x53: {  	_ =	shalt  }
0x54: {  	_ =	shalt  }
0x55: {  	_ =	shalt  }
0x56: {  	_ =	shalt  }
0x57: {  	_ =	shalt  }
0x58: {  	_ =	shalt  }
0x59: {  	_ =	shalt  }
0x5a: {  	_ =	shalt  }
0x5b: {  	_ =	shalt  }
0x5c: {  	_ =	shalt  }
0x5d: {  	_ =	shalt  }
0x5e: {  	_ =	shalt  }
0x5f: {  	_ =	shalt  }
0x60: {  	_ =	shalt  }
0x61: {  	_ =	shalt  }
0x62: {  	_ =	shalt  }
0x63: {  	_ =	shalt  }
0x64: {  	_ =	shalt  }
0x65: {  	_ =	shalt  }
0x66: {  	_ =	shalt  }
0x67: {  	_ =	shalt  }
0x68: {  	_ =	shalt  }
0x69: {  	_ =	shalt  }
0x6a: {  	_ =	shalt  }
0x6b: {  	_ =	shalt  }
0x6c: {  	_ =	shalt  }
0x6d: {  	_ =	shalt  }
0x6e: {  	_ =	shalt  }
0x6f: {  	_ =	shalt  }
0x70: {  	_ =	shalt  }
0x71: {  	_ =	shalt  }
0x72: {  	_ =	shalt  }
0x73: {  	_ =	shalt  }
0x74: {  	_ =	shalt  }
0x75: {  	_ =	shalt  }
0x76: {  	_ =	shalt  }
0x77: {  	_ =	shalt  }
0x78: {  	_ =	shalt  }
0x79: {  	_ =	shalt  }
0x7a: {  	_ =	shalt  }
0x7b: {  	_ =	shalt  }
0x7c: {  	_ =	shalt  }
0x7d: {  	_ =	shalt  }
0x7e: {  	_ =	shalt  }
0x7f: {  	_ =	shalt  }
0x80: {  	_ =	shalt  }
0x81: {  	_ =	shalt  }
0x82: {  	_ =	shalt  }
0x83: {  	_ =	shalt  }
0x84: {  	_ =	shalt  }
0x85: {  	_ =	shalt  }
0x86: {  	_ =	shalt  }
0x87: {  	_ =	shalt  }
.Lfunc_end0:
.L_simem_size_0:
called_computation_lowered:
.L_overlay_start_0:
0x88: {  	s0 =	sld [smem:$0x3FD9]  }
0x89: {  	s1 =	sld [smem:$0x3FFE];
	_ =	sdelay $0x3  }
0x8a: {  	s0 =	sadd.s32 s1, s0  }
0x8b: {  	[smem:$0x3FC6] =	sst s0  }
0x8c: {  	_ = 	snop  }
0x8d: {  	s0 =	sld [smem:$0x3FD0];
	_ =	sdelay $0x2  }
0x8e: {  	s2 =	simm.s32 $0xA;
	s3 =	simm.s32 $0x10;
	s14 =	sld [smem:$0x3FC8]  }
0x8f: {  	[smem:s3], [sflag:s2] =	dma.local [hbm:s0], $0x1  }
0x90: {  	_ =	swait.eq [sflag:s2], $0x1  }
0x91: {  	[sflag:s2] =	ssyncset.done $0x0  }
0x92: {  	[sflag:s2] =	ssyncadd.s32 $0xFFFFFFFF  }
0x93: {  	s15 =	sld [smem:$0x10];
	(tm) =	ssettm $0x1  }
0x94: {  	s16 =	sld [smem:$0x3FFB];
	_ =	sdelay $0x3  }
0x95: {  	_ =	strace s16  }
0x96: {  	s2 =	sld [smem:$0x3FFC];
	_ =	sdelay $0x3  }
0x97: {  	_ =	strace s2  }
0x98: {  	s2 =	sld [smem:$0x3FFD];
	_ =	sdelay $0x3  }
0x99: {  	_ =	strace s2  }
0x9a: {  	_ =	strace $0x8FFFFFFF  }
0x9b: {  	s17 =	sld [smem:$0x3FDB];
	_ =	sdelay $0x1  }
0x9c: {  	s18 =	simm.s32 $_scs_section_size  }
0x9d: {  	s4 =	simm.s32 $_size__tile_overlayer_lowered;
	s5 =	simm.s32 $_tile_overlayer_lowered  }
0x9e: {  	s21 =	simm.s32 $0x1BFF;
	s20 =	sshll.u32 s5, $0x1;
	s2 =	sadd.s32 s18, s17  }
0x9f: {  	s6 =	simm.s32 $0x0;
	s19 =	sshll.u32 s4, $0x1;
	s4 =	sadd.s32 s20, s2  }
0xa0: {  	[timem:s6], [sflag:s21] =	dma.local [hbm:s4], s19  }
0xa1: {  	_ =	swait.ge [sflag:s21], s19  }
0xa2: {  	s3 =	ssub.s32 $0x0, s19;
	[sflag:s21] =	ssyncset.done $0x0  }
0xa3: {  	[sflag:s21] =	ssyncadd.s32 s3;
	_ =	sdelay $0x1  }
0xa4: {  	s22 =	simm.s32 $0x1B8B  }
0xa5: {  	_ =	swait.ge [sflag:s22], $0x1  }
0xa6: {  	[sflag:s22] =	ssyncset.done $0x0  }
0xa7: {  	s23 =	simm.s32 $0x1B8E;
	[sflag:s22] =	ssyncadd.s32 $0xFFFFFFFF  }
0xa8: {  	s24 =	simm.s32 $execute0_lowered;
	[smem:$0x3FD2] =	sst s23  }
0xa9: {  	s3 =	sshll.u32 s24, $0x1;
	_ =	strace $0x80000046;
	[dreg:$0x1] =	wrdreg $0xFFFFFFFF  }
0xaa: {  	s25 =	simm.s32 $_size_execute0_lowered;
	s2 =	sadd.s32 s2, s3;
	[dreg:$0x0] =	wrdreg $0x0  }
0xab: {  	s3 =	sshll.u32 s25, $0x1;
	[dreg:$0x2] =	wrdreg s2  }
0xac: {  	[dreg:$0x3] =	wrdreg s3  }
0xad: {  	[dreg:$0x4] =	wrdreg $0xC0  }
0xae: {  	_ =	task [dreg:s6], $0x5FFFF  }
0xaf: {  	[dreg:$0x1] =	wrdreg $0xFFFFFFFF  }
0xb0: {  	[dreg:$0x0] =	wrdreg $0x60  }
0xb1: {  	[dreg:$0x2] =	wrdreg s14  }
0xb2: {  	[dreg:$0x3] =	wrdreg s15  }
0xb3: {  	[dreg:$0x4] =	wrdreg $0x9  }
0xb4: {  	_ =	task.clear_ibuf [dreg:s6], $0x5FFFF;
	_ =	strace $0x90000046  }
0xb5: {  	s26 =	simm.s32 $0x9;
	_ =	strace $0x80000048  }
0xb6: {  	_ =	swait.ge [sflag:s26], $0x1  }
0xb7: {  	[sflag:s26] =	ssyncadd.s32 $0xFFFFFFFF  }
0xb8: {  	_ =	strace $0x90000048  }
0xb9: {  	_ =	sfence  }
0xba: {  	s28 =	sld [smem:$0x0];
	_ =	sdelay $0x1  }
0xbb: {  	s29 =	srdreg.scid  }
0xbc: {  	s30 =	sshll.u32 s29, $0xD;
	s31 =	sshrl.u32 s29, $0x2  }
0xbd: {  	s1 =	sand.u32 $0x1, s29;
	s2 =	sand.u32 $0x4000, s30;
	s0 =	sadd.s32 s31, s28  }
0xbe: {  	s1 =	sor.u32 s2, s1;
	s0 =	sshll.u32 s0, $0x11  }
0xbf: {  	s0 =	sor.u32 s0, s1  }
0xc0: {  	s0 =	sadd.s32 $0x8F2B, s0  }
0xc1: {  	[sflag:s0] =	ssyncadd.remote.s32 $0x1  }
0xc2: {  	_ =	sfence.sel $0xFFFF  }
0xc3: {  	[dreg:$0x0] =	wrdreg $0xFFFFFFFF;
	(pc) =	sbr.abs _section_cstart, $3  }
0xc4: {  	[dreg:$0x1] =	wrdreg $0xFFFFFFFF  }
0xc5: {  	_ =	task.clear_ibuf [dreg:s6], $0x2FFFF;
	_ =	strace $0x9FFFFFFF  }
0xc6: {  	(tm) =	ssettm $0x7FFFFFFF  }
0xc7: {  	_ =	shalt  }
tec
execute0_lowered:
.L_overlay_start_1:
0x0: {  	(tag) =	ssettag $0x1  }
0x1: {  	s5 =	rddreg [dreg:$0x0]  }
0x2: {  	s3 =	rddreg [dreg:$0x1]  }
0x3: {  	s0 =	rddreg [dreg:$0x2];
	s2 =	simm.s32 $0x0;
	s1 =	stileid.u32;
	v0 =	vlaneseq.u32  }
0x4: {  	[smem:$0x7FF] =	sst s2;
	s4 =	sshll.u32 s1, $0x5;
	v1 =	vmul.u32 $0x10, v0  }
0x5: {  	s29 =	simm.s32 $0x1;
	_ =	strace $0x80000047;
	s5 =	sadd.s32 s5, s4  }
0x6: {  	[tilespmem:s2], [sflag:$0x1] =	stream.linear.gather [hbm4b:s5+s2], $0x100, $0x38;
	v2 =	vor.u32 $0x1, v1;
	[tilespmem:$0x300] =	vst v63  }
0x7: {  	v3 =	vor.u32 $0x2, v1;
	_ =	swait.ge [sflag:s29], $0x100  }
0x8: {  	v4 =	vor.u32 $0x3, v1;
	[sflag:s29] =	ssyncset.done $0x0  }
0x9: {  	v5 =	vor.u32 $0x4, v1;
	[sflag:s29] =	ssyncadd.s32 $0xFFFFFF00  }
0xa: {  	v7 =	vor.u32 $0x5, v1;
	v6 =	vld.idx.msk [tilespmem:v1+s2+$0x0], $0xffff  }
0xb: {  	v8 =	vor.u32 $0x6, v1;
	v2 =	vld.idx.msk [tilespmem:v2+s2+$0x0], $0xffff  }
0xc: {  	v9 =	vor.u32 $0x7, v1;
	v3 =	vld.idx.msk [tilespmem:v3+s2+$0x0], $0xffff  }
0xd: {  	v10 =	vor.u32 $0x8, v1;
	v4 =	vld.idx.msk [tilespmem:v4+s2+$0x0], $0xffff  }
0xe: {  	v11 =	vor.u32 $0x9, v1;
	v5 =	vld.idx.msk [tilespmem:v5+s2+$0x0], $0xffff  }
0xf: {  	v12 =	vor.u32 $0xA, v1;
	v7 =	vld.idx.msk [tilespmem:v7+s2+$0x0], $0xffff  }
0x10: {  	v44 =	vor.u32 $0xB, v1;
	v43 =	vld.idx.msk [tilespmem:v8+s2+$0x0], $0xffff;
	v2 =	vmin.f32 v6, v2  }
0x11: {  	v46 =	vor.u32 $0xC, v1;
	v45 =	vld.idx.msk [tilespmem:v9+s2+$0x0], $0xffff;
	v2 =	vmin.f32 v2, v3  }
0x12: {  	v48 =	vor.u32 $0xD, v1;
	v47 =	vld.idx.msk [tilespmem:v10+s2+$0x0], $0xffff;
	v2 =	vmin.f32 v2, v4  }
0x13: {  	v50 =	vor.u32 $0xE, v1;
	v49 =	vld.idx.msk [tilespmem:v11+s2+$0x0], $0xffff;
	v2 =	vmin.f32 v2, v5  }
0x14: {  	v1 =	vor.u32 $0xF, v1;
	v51 =	vld.idx.msk [tilespmem:v12+s2+$0x0], $0xffff;
	v2 =	vmin.f32 v2, v7  }
0x15: {  	v52 =	vld.idx.msk [tilespmem:v44+s2+$0x0], $0xffff;
	v2 =	vmin.f32 v2, v43  }
0x16: {  	v53 =	vld.idx.msk [tilespmem:v46+s2+$0x0], $0xffff;
	v2 =	vmin.f32 v2, v45  }
0x17: {  	v54 =	vld.idx.msk [tilespmem:v48+s2+$0x0], $0xffff;
	v2 =	vmin.f32 v2, v47  }
0x18: {  	v55 =	vld.idx.msk [tilespmem:v50+s2+$0x0], $0xffff;
	v2 =	vmin.f32 v2, v49  }
0x19: {  	v0 =	vshrl.u32 v0, $0x1;
	v1 =	vld.idx.msk [tilespmem:v1+s2+$0x0], $0xffff;
	v2 =	vmin.f32 v2, v51  }
0x1a: {  	v0 =	vmul.u32 $0x2, v0;
	v2 =	vmin.f32 v2, v52  }
0x1b: {  	v2 =	vmin.f32 v2, v53  }
0x1c: {  	v56 =	vor.u32 $0x1, v0;
	v2 =	vmin.f32 v2, v54  }
0x1d: {  	v2 =	vmin.f32 v2, v55  }
0x1e: {  	v1 =	vmin.f32 v2, v1  }
0x1f: {  	s6 =	simm.s32 $0x100;
	[tilespmem:$0x100] =	vst v1  }
0x20: {  	v0 =	vld.idx.msk [tilespmem:v0+s6+$0x0], $0xffff  }
0x21: {  	v1 =	vld.idx.msk [tilespmem:v56+s6+$0x0], $0xffff;
	_ =	sdelay $0x4  }
0x22: {  	v0 =	vmin.f32 v0, v1  }
0x23: {  	v0 =	vsub.f32 $5.000000000e-01, v0;
	_ =	sdelay $0x1  }
0x24: {  	v0 =	vshrl.u32 v0, $0x1F  }
0x25: {  	s30 =	simm.s32 $0x180;
	[tilespmem:$0x180] =	vst v0  }
0x26: {  	v0 =	vld.msk [tilespmem:s30+$0x0], $0xffff;
	_ =	sdelay $0x1  }
0x27: {  	v57 =	vimm.s32 $0x2;
	_ =	sdelay $0x2  }
0x28: {  	[tilespmem:$0x200] =	vst v0  }
0x29: {  	[tilespmem:$0x210] =	vst v0  }
0x2a: {  	v0 =	vld.idx.msk [tilespmem:v57+s30+$0x0], $0xffff;
	_ =	sdelay $0x1  }
0x2b: {  	v58 =	vimm.s32 $0x4;
	_ =	sdelay $0x2  }
0x2c: {  	[tilespmem:$0x220] =	vst v0  }
0x2d: {  	[tilespmem:$0x230] =	vst v0  }
0x2e: {  	v0 =	vld.idx.msk [tilespmem:v58+s30+$0x0], $0xffff;
	_ =	sdelay $0x1  }
0x2f: {  	v59 =	vimm.s32 $0x6;
	_ =	sdelay $0x2  }
0x30: {  	[tilespmem:$0x240] =	vst v0  }
0x31: {  	[tilespmem:$0x250] =	vst v0  }
0x32: {  	v0 =	vld.idx.msk [tilespmem:v59+s30+$0x0], $0xffff;
	_ =	sdelay $0x1  }
0x33: {  	v60 =	vimm.s32 $0x8;
	_ =	sdelay $0x2  }
0x34: {  	[tilespmem:$0x260] =	vst v0  }
0x35: {  	[tilespmem:$0x270] =	vst v0  }
0x36: {  	v0 =	vld.idx.msk [tilespmem:v60+s30+$0x0], $0xffff;
	_ =	sdelay $0x1  }
0x37: {  	v61 =	vimm.s32 $0xA;
	_ =	sdelay $0x2  }
0x38: {  	[tilespmem:$0x280] =	vst v0  }
0x39: {  	[tilespmem:$0x290] =	vst v0  }
0x3a: {  	v0 =	vld.idx.msk [tilespmem:v61+s30+$0x0], $0xffff;
	_ =	sdelay $0x1  }
0x3b: {  	v62 =	vimm.s32 $0xC;
	_ =	sdelay $0x2  }
0x3c: {  	[tilespmem:$0x2A0] =	vst v0  }
0x3d: {  	[tilespmem:$0x2B0] =	vst v0  }
0x3e: {  	v0 =	vld.idx.msk [tilespmem:v62+s30+$0x0], $0xffff;
	_ =	sdelay $0x1  }
0x3f: {  	v63 =	vimm.s32 $0xE;
	_ =	sdelay $0x2  }
0x40: {  	[tilespmem:$0x2C0] =	vst v0  }
0x41: {  	[tilespmem:$0x2D0] =	vst v0  }
0x42: {  	v0 =	vld.idx.msk [tilespmem:v63+s30+$0x0], $0xffff;
	_ =	sdelay $0x4  }
0x43: {  	[tilespmem:$0x2E0] =	vst v0  }
0x44: {  	s31 =	simm.s32 $0x200;
	s3 =	sadd.s32 s3, s4;
	[tilespmem:$0x2F0] =	vst v0  }
0x45: {  	[hbm4b:s3+s2] =	stream.linear.scatter [tilespmem:s31], [sflag:$0x1], $0x100, $0x38;
	[tilespmem:$0x300] =	vst v63  }
0x46: {  	_ =	swait.ge [sflag:s29], $0x100  }
0x47: {  	[sflag:s29] =	ssyncset.done $0x0  }
0x48: {  	[sflag:s29] =	ssyncadd.s32 $0xFFFFFF00  }
0x49: {  	_ =	sfence.sel $0x180000  }
0x4a: {  	[bflag:$0x0] =	sbarrier.arrive $0xFFFF  }
0x4b: {  	p0 =	sne.s32 s1, $0x0;
	_ =	strace $0x90000047  }
0x4c: {  	s0 =	sadd.s32 @!p0 $0x100000, s0;
	[bflag:$0x2] =	sbarrier.arrive $0xFFFF  }
0x4d: {  	[sflag:s0] =	ssyncadd.tile.s32 @!p0 $0x1;
	_ =	shalt  }
.Lfunc_end2:
_tile_overlayer_lowered:
.L_overlay_start_2:
0x4e: {  	(tag) =	ssettag $0x2  }
0x4f: {  	s0 =	rddreg [dreg:$0x0];
	s2 =	stileid.u32  }
0x50: {  	s1 =	rddreg [dreg:$0x1];
	p0 =	sne.s32 s2, $0x0  }
0x51: {  	s3 =	rddreg [dreg:$0x2];
	[bflag:$0x3] =	sbarrier.arrive $0xFFFF;
	s2 =	simm.s32 @!p0 $0x1C01  }
0x52: {  	[timem:s3], [sflag:s2] =	dma.local @!p0 [hbm:s0], s1  }
0x53: {  	s0 =	simm.s32 @!p0 $0x1  }
0x54: {  	_ =	swait.ge @!p0 [sflag:s0], s1  }
0x55: {  	s1 =	ssub.s32 @!p0 $0x0, s1;
	[sflag:s0] =	ssyncset.done @!p0 $0x0  }
0x56: {  	[sflag:s0] =	ssyncadd.s32 @!p0 s1  }
0x57: {  	[bflag:$0x3] =	sbarrier.arrive $0xFFFF  }
0x58: {  	_ =	shalt  }

</sc_bundles>
